<compile_context>
chip_gen: v7x
topology: tpu7x:2x2x1
jax: 0.10.2.dev20260603
libtpu: 0.0.44.dev20260713+nightly
codegen_flags: <defaults>
</compile_context>

<pallas_src>
import functools

import jax
import jax.numpy as jnp
from jax import lax
from jax.experimental import pallas as pl
from jax.experimental.pallas import tpu as pltpu
from jax.experimental.pallas import tpu_sc as plsc

T = 16384
DIM_F = 32
DIM_CAT = 64
VOCAB = 100000
K_FLAGS = 32
MODEL_DIM = 256
TOTAL = 3 * DIM_F + 2 * DIM_CAT + DIM_F

_NC = 2
_NS = 16
_NW = _NC * _NS
_BPW = T // _NW

_BT = 2048


@functools.lru_cache(maxsize=1)
def _make_sc_gather():
    mesh = plsc.VectorSubcoreMesh(
        core_axis_name="c", subcore_axis_name="s",
        num_cores=_NC, num_subcores=_NS)

    ch = 128
    nch = _BPW // ch

    @functools.partial(
        pl.kernel,
        mesh=mesh,
        compiler_params=pltpu.CompilerParams(use_tc_tiling_on_sc=False),
        out_type=(jax.ShapeDtypeStruct((T, DIM_CAT), jnp.float32),
                  jax.ShapeDtypeStruct((T, DIM_CAT), jnp.float32)),
        scratch_types=[
            pltpu.VMEM((_BPW,), jnp.int32),
            pltpu.VMEM((_BPW,), jnp.int32),
            pltpu.VMEM((_BPW, DIM_CAT), jnp.float32),
            pltpu.VMEM((_BPW, DIM_CAT), jnp.float32),
            pltpu.SemaphoreType.DMA,
        ],
    )
    def gather2(dx_emb_hbm, proc_emb_hbm, dx_idx_hbm, proc_idx_hbm,
                dx_out, proc_out, idx_dx, idx_pr, rows_dx, rows_pr, sem):
        wid = lax.axis_index("s") * _NC + lax.axis_index("c")
        base = wid * _BPW
        pltpu.sync_copy(dx_idx_hbm.at[pl.ds(base, _BPW)], idx_dx)
        pltpu.sync_copy(proc_idx_hbm.at[pl.ds(base, _BPW)], idx_pr)
        copies = []
        for j in range(nch):
            sl = pl.ds(j * ch, ch)
            copies.append(pltpu.async_copy(
                dx_emb_hbm.at[idx_dx.at[sl]], rows_dx.at[sl], sem))
            copies.append(pltpu.async_copy(
                proc_emb_hbm.at[idx_pr.at[sl]], rows_pr.at[sl], sem))
        for c in copies:
            c.wait()
        pltpu.sync_copy(rows_dx, dx_out.at[pl.ds(base, _BPW)])
        pltpu.sync_copy(rows_pr, proc_out.at[pl.ds(base, _BPW)])

    return gather2


def _tc_body(hv_ref, hm_ref, sv_ref, sm_ref, vv_ref, vm_ref, ld_ref,
             meds_ref, dx_ref, pr_ref,
             wf_ref, bf_ref, ws_ref, bs_ref, me_ref,
             w1_ref, b1_ref, w2_ref, b2_ref, out_ref):
    f32 = jnp.float32
    s = jnp.stack([hv_ref[...], hm_ref[...], sv_ref[...], sm_ref[...],
                   vv_ref[...], vm_ref[...], ld_ref[...]], axis=0)
    h96 = lax.dot_general(s, wf_ref[...],
                          (((0,), (0,)), ((), ())),
                          preferred_element_type=f32)
    h96 = jnp.maximum(h96 + bf_ref[...], 0.0)
    o96 = jnp.dot(h96, ws_ref[...], preferred_element_type=f32) + bs_ref[...]
    mask = (meds_ref[...] > 0.5).astype(f32)
    cnt = jnp.sum(mask, axis=1, keepdims=True)
    bag = jnp.dot(mask, me_ref[...], preferred_element_type=f32)
    o_meds = jnp.where(cnt > 0, bag / jnp.maximum(cnt, 1.0),
                       jnp.zeros_like(bag))
    concat = jnp.concatenate(
        [o96, dx_ref[...], pr_ref[...], o_meds], axis=1)
    h = jnp.maximum(
        jnp.dot(concat, w1_ref[...], preferred_element_type=f32)
        + b1_ref[...], 0.0)
    out_ref[...] = (jnp.dot(h, w2_ref[...], preferred_element_type=f32)
                    + b2_ref[...])


@functools.lru_cache(maxsize=1)
def _make_tc_dense():
    full = lambda shape: pl.BlockSpec(shape, lambda i: (0, 0))
    return pl.pallas_call(
        _tc_body,
        grid=(T // _BT,),
        in_specs=[
            pl.BlockSpec((_BT,), lambda i: (i,)),
            pl.BlockSpec((_BT,), lambda i: (i,)),
            pl.BlockSpec((_BT,), lambda i: (i,)),
            pl.BlockSpec((_BT,), lambda i: (i,)),
            pl.BlockSpec((_BT,), lambda i: (i,)),
            pl.BlockSpec((_BT,), lambda i: (i,)),
            pl.BlockSpec((_BT,), lambda i: (i,)),
            pl.BlockSpec((_BT, K_FLAGS), lambda i: (i, 0)),
            pl.BlockSpec((_BT, DIM_CAT), lambda i: (i, 0)),
            pl.BlockSpec((_BT, DIM_CAT), lambda i: (i, 0)),
            full((7, 3 * DIM_F)),
            full((1, 3 * DIM_F)),
            full((3 * DIM_F, 3 * DIM_F)),
            full((1, 3 * DIM_F)),
            full((K_FLAGS, DIM_F)),
            full((TOTAL, MODEL_DIM)),
            full((1, MODEL_DIM)),
            full((MODEL_DIM, MODEL_DIM)),
            full((1, MODEL_DIM)),
        ],
        out_specs=pl.BlockSpec((_BT, MODEL_DIM), lambda i: (i, 0)),
        out_shape=jax.ShapeDtypeStruct((T, MODEL_DIM), jnp.float32),
        compiler_params=pltpu.CompilerParams(
            dimension_semantics=("arbitrary",)),
    )


def kernel(log_dt, hr_value, hr_miss, sbp_value, sbp_miss, vent_value,
           vent_miss, dx_idx, proc_idx, meds_flags, hr_W1, hr_b1, hr_W2,
           hr_b2, sbp_W1, sbp_b1, sbp_W2, sbp_b2, vent_W1, vent_b1,
           vent_W2, vent_b2, dx_emb, proc_emb, meds_emb, proj_W1, proj_b1,
           proj_W2, proj_b2):
    f32 = jnp.float32
    dx_rows, pr_rows = _make_sc_gather()(
        dx_emb, proc_emb,
        dx_idx.astype(jnp.int32), proc_idx.astype(jnp.int32))

    z = jnp.zeros((1, DIM_F), f32)
    wf = jnp.concatenate([
        jnp.concatenate([hr_W1[0:1], hr_W1[1:2], z, z, z, z,
                         hr_W1[2:3]], axis=0),
        jnp.concatenate([z, z, sbp_W1[0:1], sbp_W1[1:2], z, z,
                         sbp_W1[2:3]], axis=0),
        jnp.concatenate([z, z, z, z, vent_W1[0:1], vent_W1[1:2],
                         vent_W1[2:3]], axis=0),
    ], axis=1)
    bf = jnp.concatenate([hr_b1, sbp_b1, vent_b1])[None, :]
    zz = jnp.zeros((DIM_F, DIM_F), f32)
    ws = jnp.concatenate([
        jnp.concatenate([hr_W2, zz, zz], axis=1),
        jnp.concatenate([zz, sbp_W2, zz], axis=1),
        jnp.concatenate([zz, zz, vent_W2], axis=1),
    ], axis=0)
    bs = jnp.concatenate([hr_b2, sbp_b2, vent_b2])[None, :]

    return _make_tc_dense()(
        hr_value, hr_miss, sbp_value, sbp_miss, vent_value, vent_miss,
        log_dt, meds_flags, dx_rows, pr_rows,
        wf, bf, ws, bs, meds_emb,
        proj_W1, proj_b1[None, :], proj_W2, proj_b2[None, :])

# --- scband reference (transcript-rebuilt; emitter-appended) ---
"""Pipeline reference for scband-clinical-encoder-53163105190343 (READ-ONLY COPY).

The authoritative reference and input builder live on the scoring server;
editing this copy changes nothing except your own understanding.
"""

import jax, jax.numpy as jnp
import numpy as np

T = 16384
DIM_F = 32
DIM_CAT = 64
VOCAB = 100000
K_FLAGS = 32
MODEL_DIM = 256
TOTAL = 3 * DIM_F + 2 * DIM_CAT + DIM_F


def _mlp2(x, W1, b1, W2, b2):
    h = jax.nn.relu(x @ W1 + b1)
    return h @ W2 + b2


def _lin(kw, kb, fan_in, fan_out):
    bound = 1.0 / np.sqrt(fan_in)
    W = jax.random.uniform(kw, (fan_in, fan_out), minval=-bound, maxval=bound, dtype=jnp.float32)
    b = jax.random.uniform(kb, (fan_out,), minval=-bound, maxval=bound, dtype=jnp.float32)
    return W, b


def setup_inputs(seed: int = 0):
    key = jax.random.key(seed)
    ks = jax.random.split(key, 40)
    inp = {}
    inp['log_dt'] = jax.random.normal(ks[0], (T,), dtype=jnp.float32)
    inp['hr_value'] = jax.random.normal(ks[1], (T,), dtype=jnp.float32)
    inp['hr_miss'] = jax.random.randint(ks[2], (T,), 0, 2).astype(jnp.float32)
    inp['sbp_value'] = jax.random.normal(ks[3], (T,), dtype=jnp.float32)
    inp['sbp_miss'] = jax.random.randint(ks[4], (T,), 0, 2).astype(jnp.float32)
    inp['vent_value'] = jax.random.randint(ks[5], (T,), 0, 2).astype(jnp.float32)
    inp['vent_miss'] = jax.random.randint(ks[6], (T,), 0, 2).astype(jnp.float32)
    inp['dx_idx'] = jax.random.randint(ks[7], (T,), 0, VOCAB)
    inp['proc_idx'] = jax.random.randint(ks[8], (T,), 0, VOCAB)
    inp['meds_flags'] = jax.random.uniform(ks[9], (T, K_FLAGS), dtype=jnp.float32)
    inp['hr_W1'], inp['hr_b1'] = _lin(ks[10], ks[11], 3, DIM_F)
    inp['hr_W2'], inp['hr_b2'] = _lin(ks[12], ks[13], DIM_F, DIM_F)
    inp['sbp_W1'], inp['sbp_b1'] = _lin(ks[14], ks[15], 3, DIM_F)
    inp['sbp_W2'], inp['sbp_b2'] = _lin(ks[16], ks[17], DIM_F, DIM_F)
    inp['vent_W1'], inp['vent_b1'] = _lin(ks[18], ks[19], 3, DIM_F)
    inp['vent_W2'], inp['vent_b2'] = _lin(ks[20], ks[21], DIM_F, DIM_F)
    inp['dx_emb'] = jax.random.normal(ks[22], (VOCAB, DIM_CAT), dtype=jnp.float32)
    inp['proc_emb'] = jax.random.normal(ks[23], (VOCAB, DIM_CAT), dtype=jnp.float32)
    inp['meds_emb'] = jax.random.normal(ks[24], (K_FLAGS, DIM_F), dtype=jnp.float32)
    inp['proj_W1'], inp['proj_b1'] = _lin(ks[25], ks[26], TOTAL, MODEL_DIM)
    inp['proj_W2'], inp['proj_b2'] = _lin(ks[27], ks[28], MODEL_DIM, MODEL_DIM)
    return inp


def reference(log_dt, hr_value, hr_miss, sbp_value, sbp_miss, vent_value, vent_miss, dx_idx, proc_idx, meds_flags, hr_W1, hr_b1, hr_W2, hr_b2, sbp_W1, sbp_b1, sbp_W2, sbp_b2, vent_W1, vent_b1, vent_W2, vent_b2, dx_emb, proc_emb, meds_emb, proj_W1, proj_b1, proj_W2, proj_b2):
    o_hr = _mlp2(jnp.stack([hr_value, hr_miss, log_dt], axis=-1), hr_W1, hr_b1, hr_W2, hr_b2)
    o_sbp = _mlp2(jnp.stack([sbp_value, sbp_miss, log_dt], axis=-1), sbp_W1, sbp_b1, sbp_W2, sbp_b2)
    o_vent = _mlp2(jnp.stack([vent_value, vent_miss, log_dt], axis=-1), vent_W1, vent_b1, vent_W2, vent_b2)
    o_dx = jnp.take(dx_emb, dx_idx, axis=0)
    o_proc = jnp.take(proc_emb, proc_idx, axis=0)
    # FlagBagEncoder: mean of embeddings of active flags per timestep (vectorized)
    mask = (meds_flags > 0.5).astype(jnp.float32)
    cnt = jnp.sum(mask, axis=-1, keepdims=True)
    bag = mask @ meds_emb
    o_meds = jnp.where(cnt > 0, bag / jnp.maximum(cnt, 1.0), jnp.zeros_like(bag))
    concat = jnp.concatenate([o_hr, o_sbp, o_vent, o_dx, o_proc, o_meds], axis=-1)
    h = jax.nn.relu(concat @ proj_W1 + proj_b1)
    X_timestep = h @ proj_W2 + proj_b2
    return X_timestep

if __name__ == "__main__":
    import jax
    _d = setup_inputs()
    print(jax.jit(kernel)(*tuple(_d.values())))

</pallas_src>

<mosaic_0001>
#map = affine_map<(d0, d1) -> (0, 0)>
#map1 = affine_map<(d0, d1) -> (0)>
module attributes {stable_mosaic.version = 14 : i64} {
  func.func @gather2(%arg0: i32, %arg1: i32, %arg2: memref<100000x64xf32, #tpu.memory_space<hbm>>, %arg3: memref<100000x64xf32, #tpu.memory_space<hbm>>, %arg4: memref<16384xi32, #tpu.memory_space<hbm>>, %arg5: memref<16384xi32, #tpu.memory_space<hbm>>, %arg6: memref<16384x64xf32, #tpu.memory_space<hbm>>, %arg7: memref<16384x64xf32, #tpu.memory_space<hbm>>, %arg8: memref<512xi32, #tpu.memory_space<vmem>>, %arg9: memref<512xi32, #tpu.memory_space<vmem>>, %arg10: memref<512x64xf32, #tpu.memory_space<vmem>>, %arg11: memref<512x64xf32, #tpu.memory_space<vmem>>, %arg12: memref<!tpu.dma_semaphore, #tpu.memory_space<semaphore_mem>>) attributes {dimension_semantics = [#tpu.dimension_semantics<core_parallel>, #tpu.dimension_semantics<subcore_parallel>], iteration_bounds = array<i64: 2, 16>, scalar_prefetch = 0 : i64, scratch_operands = 5 : i64, tpu.core_type = #tpu.core_type<sc_vector_subcore>, window_params = [{transform_indices = #map}, {transform_indices = #map}, {transform_indices = #map1}, {transform_indices = #map1}, {transform_indices = #map}, {transform_indices = #map}]} {
    %mul3A = arith.constant 2 : i32
    %mul3A_0 = arith.muli %arg1, %mul3A : i32
    %add3A = arith.addi %mul3A_0, %arg0 : i32
    %mul3A_1 = arith.constant 512 : i32
    %mul3A_2 = arith.muli %add3A, %mul3A_1 : i32
    "tpu.region"() ({
      %run_scoped3A = tpu.sem_alloc : memref<!tpu.dma_semaphore, #tpu.memory_space<semaphore_mem>>
      %dma_start3A_129 = tpu.memref_slice %arg4[%mul3A_2] : memref<16384xi32, #tpu.memory_space<hbm>> -> memref<512xi32, #tpu.memory_space<hbm>>
      %dma_start3A_130 = tpu.memref_slice %arg4[%mul3A_2] : memref<16384xi32, #tpu.memory_space<hbm>> -> memref<512xi32, #tpu.memory_space<hbm>>
      tpu.enqueue_dma source(%dma_start3A_130 : memref<512xi32, #tpu.memory_space<hbm>>) target(%arg8 : memref<512xi32, #tpu.memory_space<vmem>>) target_semaphore(%run_scoped3A : memref<!tpu.dma_semaphore, #tpu.memory_space<semaphore_mem>>)
      %dma_wait3A_131 = tpu.memref_slice %arg4[%mul3A_2] : memref<16384xi32, #tpu.memory_space<hbm>> -> memref<512xi32, #tpu.memory_space<hbm>>
      %dma_wait3A_132 = tpu.memref_slice %arg4[%mul3A_2] : memref<16384xi32, #tpu.memory_space<hbm>> -> memref<512xi32, #tpu.memory_space<hbm>>
      tpu.wait_dma2 semaphore(%run_scoped3A : memref<!tpu.dma_semaphore, #tpu.memory_space<semaphore_mem>>) src(%dma_wait3A_132 : memref<512xi32, #tpu.memory_space<hbm>>) dst(%arg8 : memref<512xi32, #tpu.memory_space<vmem>>)
      tpu.yield
    }) : () -> ()
    "tpu.region"() ({
      %run_scoped3A = tpu.sem_alloc : memref<!tpu.dma_semaphore, #tpu.memory_space<semaphore_mem>>
      %dma_start3A_129 = tpu.memref_slice %arg5[%mul3A_2] : memref<16384xi32, #tpu.memory_space<hbm>> -> memref<512xi32, #tpu.memory_space<hbm>>
      %dma_start3A_130 = tpu.memref_slice %arg5[%mul3A_2] : memref<16384xi32, #tpu.memory_space<hbm>> -> memref<512xi32, #tpu.memory_space<hbm>>
      tpu.enqueue_dma source(%dma_start3A_130 : memref<512xi32, #tpu.memory_space<hbm>>) target(%arg9 : memref<512xi32, #tpu.memory_space<vmem>>) target_semaphore(%run_scoped3A : memref<!tpu.dma_semaphore, #tpu.memory_space<semaphore_mem>>)
      %dma_wait3A_131 = tpu.memref_slice %arg5[%mul3A_2] : memref<16384xi32, #tpu.memory_space<hbm>> -> memref<512xi32, #tpu.memory_space<hbm>>
      %dma_wait3A_132 = tpu.memref_slice %arg5[%mul3A_2] : memref<16384xi32, #tpu.memory_space<hbm>> -> memref<512xi32, #tpu.memory_space<hbm>>
      tpu.wait_dma2 semaphore(%run_scoped3A : memref<!tpu.dma_semaphore, #tpu.memory_space<semaphore_mem>>) src(%dma_wait3A_132 : memref<512xi32, #tpu.memory_space<hbm>>) dst(%arg9 : memref<512xi32, #tpu.memory_space<vmem>>)
      tpu.yield
    }) : () -> ()
    %dma_start3A = arith.constant 0 : i32
    %dma_start3A_3 = arith.constant 0 : i32
    %dma_start3A_4 = tpu.memref_slice %arg10[%dma_start3A, %dma_start3A_3] : memref<512x64xf32, #tpu.memory_space<vmem>> -> memref<128x64xf32, #tpu.memory_space<vmem>>
    %dma_start3A_5 = arith.constant 0 : i32
    %dma_start3A_6 = tpu.memref_slice %arg8[%dma_start3A_5] : memref<512xi32, #tpu.memory_space<vmem>> -> memref<128xi32, #tpu.memory_space<vmem>>
    %dma_start3A_7 = arith.constant 0 : i32
    %dma_start3A_8 = arith.constant 0 : i32
    %dma_start3A_9 = tpu.memref_slice %arg2[%dma_start3A_7, %dma_start3A_8] : memref<100000x64xf32, #tpu.memory_space<hbm>> -> memref<100000x64xf32, #tpu.memory_space<hbm>>
    tpu.enqueue_indirect_dma source(%dma_start3A_9 : memref<100000x64xf32, #tpu.memory_space<hbm>>) target(%dma_start3A_4 : memref<128x64xf32, #tpu.memory_space<vmem>>) offsets(%dma_start3A_6 : memref<128xi32, #tpu.memory_space<vmem>>) semaphore(%arg12 : memref<!tpu.dma_semaphore, #tpu.memory_space<semaphore_mem>>)
    %dma_start3A_10 = arith.constant 0 : i32
    %dma_start3A_11 = arith.constant 0 : i32
    %dma_start3A_12 = tpu.memref_slice %arg11[%dma_start3A_10, %dma_start3A_11] : memref<512x64xf32, #tpu.memory_space<vmem>> -> memref<128x64xf32, #tpu.memory_space<vmem>>
    %dma_start3A_13 = arith.constant 0 : i32
    %dma_start3A_14 = tpu.memref_slice %arg9[%dma_start3A_13] : memref<512xi32, #tpu.memory_space<vmem>> -> memref<128xi32, #tpu.memory_space<vmem>>
    %dma_start3A_15 = arith.constant 0 : i32
    %dma_start3A_16 = arith.constant 0 : i32
    %dma_start3A_17 = tpu.memref_slice %arg3[%dma_start3A_15, %dma_start3A_16] : memref<100000x64xf32, #tpu.memory_space<hbm>> -> memref<100000x64xf32, #tpu.memory_space<hbm>>
    tpu.enqueue_indirect_dma source(%dma_start3A_17 : memref<100000x64xf32, #tpu.memory_space<hbm>>) target(%dma_start3A_12 : memref<128x64xf32, #tpu.memory_space<vmem>>) offsets(%dma_start3A_14 : memref<128xi32, #tpu.memory_space<vmem>>) semaphore(%arg12 : memref<!tpu.dma_semaphore, #tpu.memory_space<semaphore_mem>>)
    %dma_start3A_18 = arith.constant 128 : i32
    %dma_start3A_19 = arith.constant 0 : i32
    %dma_start3A_20 = tpu.memref_slice %arg10[%dma_start3A_18, %dma_start3A_19] : memref<512x64xf32, #tpu.memory_space<vmem>> -> memref<128x64xf32, #tpu.memory_space<vmem>>
    %dma_start3A_21 = arith.constant 128 : i32
    %dma_start3A_22 = tpu.memref_slice %arg8[%dma_start3A_21] : memref<512xi32, #tpu.memory_space<vmem>> -> memref<128xi32, #tpu.memory_space<vmem>>
    %dma_start3A_23 = arith.constant 0 : i32
    %dma_start3A_24 = arith.constant 0 : i32
    %dma_start3A_25 = tpu.memref_slice %arg2[%dma_start3A_23, %dma_start3A_24] : memref<100000x64xf32, #tpu.memory_space<hbm>> -> memref<100000x64xf32, #tpu.memory_space<hbm>>
    tpu.enqueue_indirect_dma source(%dma_start3A_25 : memref<100000x64xf32, #tpu.memory_space<hbm>>) target(%dma_start3A_20 : memref<128x64xf32, #tpu.memory_space<vmem>>) offsets(%dma_start3A_22 : memref<128xi32, #tpu.memory_space<vmem>>) semaphore(%arg12 : memref<!tpu.dma_semaphore, #tpu.memory_space<semaphore_mem>>)
    %dma_start3A_26 = arith.constant 128 : i32
    %dma_start3A_27 = arith.constant 0 : i32
    %dma_start3A_28 = tpu.memref_slice %arg11[%dma_start3A_26, %dma_start3A_27] : memref<512x64xf32, #tpu.memory_space<vmem>> -> memref<128x64xf32, #tpu.memory_space<vmem>>
    %dma_start3A_29 = arith.constant 128 : i32
    %dma_start3A_30 = tpu.memref_slice %arg9[%dma_start3A_29] : memref<512xi32, #tpu.memory_space<vmem>> -> memref<128xi32, #tpu.memory_space<vmem>>
    %dma_start3A_31 = arith.constant 0 : i32
    %dma_start3A_32 = arith.constant 0 : i32
    %dma_start3A_33 = tpu.memref_slice %arg3[%dma_start3A_31, %dma_start3A_32] : memref<100000x64xf32, #tpu.memory_space<hbm>> -> memref<100000x64xf32, #tpu.memory_space<hbm>>
    tpu.enqueue_indirect_dma source(%dma_start3A_33 : memref<100000x64xf32, #tpu.memory_space<hbm>>) target(%dma_start3A_28 : memref<128x64xf32, #tpu.memory_space<vmem>>) offsets(%dma_start3A_30 : memref<128xi32, #tpu.memory_space<vmem>>) semaphore(%arg12 : memref<!tpu.dma_semaphore, #tpu.memory_space<semaphore_mem>>)
    %dma_start3A_34 = arith.constant 256 : i32
    %dma_start3A_35 = arith.constant 0 : i32
    %dma_start3A_36 = tpu.memref_slice %arg10[%dma_start3A_34, %dma_start3A_35] : memref<512x64xf32, #tpu.memory_space<vmem>> -> memref<128x64xf32, #tpu.memory_space<vmem>>
    %dma_start3A_37 = arith.constant 256 : i32
    %dma_start3A_38 = tpu.memref_slice %arg8[%dma_start3A_37] : memref<512xi32, #tpu.memory_space<vmem>> -> memref<128xi32, #tpu.memory_space<vmem>>
    %dma_start3A_39 = arith.constant 0 : i32
    %dma_start3A_40 = arith.constant 0 : i32
    %dma_start3A_41 = tpu.memref_slice %arg2[%dma_start3A_39, %dma_start3A_40] : memref<100000x64xf32, #tpu.memory_space<hbm>> -> memref<100000x64xf32, #tpu.memory_space<hbm>>
    tpu.enqueue_indirect_dma source(%dma_start3A_41 : memref<100000x64xf32, #tpu.memory_space<hbm>>) target(%dma_start3A_36 : memref<128x64xf32, #tpu.memory_space<vmem>>) offsets(%dma_start3A_38 : memref<128xi32, #tpu.memory_space<vmem>>) semaphore(%arg12 : memref<!tpu.dma_semaphore, #tpu.memory_space<semaphore_mem>>)
    %dma_start3A_42 = arith.constant 256 : i32
    %dma_start3A_43 = arith.constant 0 : i32
    %dma_start3A_44 = tpu.memref_slice %arg11[%dma_start3A_42, %dma_start3A_43] : memref<512x64xf32, #tpu.memory_space<vmem>> -> memref<128x64xf32, #tpu.memory_space<vmem>>
    %dma_start3A_45 = arith.constant 256 : i32
    %dma_start3A_46 = tpu.memref_slice %arg9[%dma_start3A_45] : memref<512xi32, #tpu.memory_space<vmem>> -> memref<128xi32, #tpu.memory_space<vmem>>
    %dma_start3A_47 = arith.constant 0 : i32
    %dma_start3A_48 = arith.constant 0 : i32
    %dma_start3A_49 = tpu.memref_slice %arg3[%dma_start3A_47, %dma_start3A_48] : memref<100000x64xf32, #tpu.memory_space<hbm>> -> memref<100000x64xf32, #tpu.memory_space<hbm>>
    tpu.enqueue_indirect_dma source(%dma_start3A_49 : memref<100000x64xf32, #tpu.memory_space<hbm>>) target(%dma_start3A_44 : memref<128x64xf32, #tpu.memory_space<vmem>>) offsets(%dma_start3A_46 : memref<128xi32, #tpu.memory_space<vmem>>) semaphore(%arg12 : memref<!tpu.dma_semaphore, #tpu.memory_space<semaphore_mem>>)
    %dma_start3A_50 = arith.constant 384 : i32
    %dma_start3A_51 = arith.constant 0 : i32
    %dma_start3A_52 = tpu.memref_slice %arg10[%dma_start3A_50, %dma_start3A_51] : memref<512x64xf32, #tpu.memory_space<vmem>> -> memref<128x64xf32, #tpu.memory_space<vmem>>
    %dma_start3A_53 = arith.constant 384 : i32
    %dma_start3A_54 = tpu.memref_slice %arg8[%dma_start3A_53] : memref<512xi32, #tpu.memory_space<vmem>> -> memref<128xi32, #tpu.memory_space<vmem>>
    %dma_start3A_55 = arith.constant 0 : i32
    %dma_start3A_56 = arith.constant 0 : i32
    %dma_start3A_57 = tpu.memref_slice %arg2[%dma_start3A_55, %dma_start3A_56] : memref<100000x64xf32, #tpu.memory_space<hbm>> -> memref<100000x64xf32, #tpu.memory_space<hbm>>
    tpu.enqueue_indirect_dma source(%dma_start3A_57 : memref<100000x64xf32, #tpu.memory_space<hbm>>) target(%dma_start3A_52 : memref<128x64xf32, #tpu.memory_space<vmem>>) offsets(%dma_start3A_54 : memref<128xi32, #tpu.memory_space<vmem>>) semaphore(%arg12 : memref<!tpu.dma_semaphore, #tpu.memory_space<semaphore_mem>>)
    %dma_start3A_58 = arith.constant 384 : i32
    %dma_start3A_59 = arith.constant 0 : i32
    %dma_start3A_60 = tpu.memref_slice %arg11[%dma_start3A_58, %dma_start3A_59] : memref<512x64xf32, #tpu.memory_space<vmem>> -> memref<128x64xf32, #tpu.memory_space<vmem>>
    %dma_start3A_61 = arith.constant 384 : i32
    %dma_start3A_62 = tpu.memref_slice %arg9[%dma_start3A_61] : memref<512xi32, #tpu.memory_space<vmem>> -> memref<128xi32, #tpu.memory_space<vmem>>
    %dma_start3A_63 = arith.constant 0 : i32
    %dma_start3A_64 = arith.constant 0 : i32
    %dma_start3A_65 = tpu.memref_slice %arg3[%dma_start3A_63, %dma_start3A_64] : memref<100000x64xf32, #tpu.memory_space<hbm>> -> memref<100000x64xf32, #tpu.memory_space<hbm>>
    tpu.enqueue_indirect_dma source(%dma_start3A_65 : memref<100000x64xf32, #tpu.memory_space<hbm>>) target(%dma_start3A_60 : memref<128x64xf32, #tpu.memory_space<vmem>>) offsets(%dma_start3A_62 : memref<128xi32, #tpu.memory_space<vmem>>) semaphore(%arg12 : memref<!tpu.dma_semaphore, #tpu.memory_space<semaphore_mem>>)
    %dma_wait3A = arith.constant 0 : i32
    %dma_wait3A_66 = arith.constant 0 : i32
    %dma_wait3A_67 = tpu.memref_slice %arg10[%dma_wait3A, %dma_wait3A_66] : memref<512x64xf32, #tpu.memory_space<vmem>> -> memref<128x64xf32, #tpu.memory_space<vmem>>
    %dma_wait3A_68 = arith.constant 0 : i32
    %dma_wait3A_69 = tpu.memref_slice %arg8[%dma_wait3A_68] : memref<512xi32, #tpu.memory_space<vmem>> -> memref<128xi32, #tpu.memory_space<vmem>>
    %dma_wait3A_70 = arith.constant 0 : i32
    %dma_wait3A_71 = arith.constant 0 : i32
    %dma_wait3A_72 = tpu.memref_slice %arg2[%dma_wait3A_70, %dma_wait3A_71] : memref<100000x64xf32, #tpu.memory_space<hbm>> -> memref<100000x64xf32, #tpu.memory_space<hbm>>
    tpu.wait_indirect_dma semaphore(%arg12 : memref<!tpu.dma_semaphore, #tpu.memory_space<semaphore_mem>>) src(%dma_wait3A_72 : memref<100000x64xf32, #tpu.memory_space<hbm>>) dst(%dma_wait3A_67 : memref<128x64xf32, #tpu.memory_space<vmem>>)
    %dma_wait3A_73 = arith.constant 0 : i32
    %dma_wait3A_74 = arith.constant 0 : i32
    %dma_wait3A_75 = tpu.memref_slice %arg11[%dma_wait3A_73, %dma_wait3A_74] : memref<512x64xf32, #tpu.memory_space<vmem>> -> memref<128x64xf32, #tpu.memory_space<vmem>>
    %dma_wait3A_76 = arith.constant 0 : i32
    %dma_wait3A_77 = tpu.memref_slice %arg9[%dma_wait3A_76] : memref<512xi32, #tpu.memory_space<vmem>> -> memref<128xi32, #tpu.memory_space<vmem>>
    %dma_wait3A_78 = arith.constant 0 : i32
    %dma_wait3A_79 = arith.constant 0 : i32
    %dma_wait3A_80 = tpu.memref_slice %arg3[%dma_wait3A_78, %dma_wait3A_79] : memref<100000x64xf32, #tpu.memory_space<hbm>> -> memref<100000x64xf32, #tpu.memory_space<hbm>>
    tpu.wait_indirect_dma semaphore(%arg12 : memref<!tpu.dma_semaphore, #tpu.memory_space<semaphore_mem>>) src(%dma_wait3A_80 : memref<100000x64xf32, #tpu.memory_space<hbm>>) dst(%dma_wait3A_75 : memref<128x64xf32, #tpu.memory_space<vmem>>)
    %dma_wait3A_81 = arith.constant 128 : i32
    %dma_wait3A_82 = arith.constant 0 : i32
    %dma_wait3A_83 = tpu.memref_slice %arg10[%dma_wait3A_81, %dma_wait3A_82] : memref<512x64xf32, #tpu.memory_space<vmem>> -> memref<128x64xf32, #tpu.memory_space<vmem>>
    %dma_wait3A_84 = arith.constant 128 : i32
    %dma_wait3A_85 = tpu.memref_slice %arg8[%dma_wait3A_84] : memref<512xi32, #tpu.memory_space<vmem>> -> memref<128xi32, #tpu.memory_space<vmem>>
    %dma_wait3A_86 = arith.constant 0 : i32
    %dma_wait3A_87 = arith.constant 0 : i32
    %dma_wait3A_88 = tpu.memref_slice %arg2[%dma_wait3A_86, %dma_wait3A_87] : memref<100000x64xf32, #tpu.memory_space<hbm>> -> memref<100000x64xf32, #tpu.memory_space<hbm>>
    tpu.wait_indirect_dma semaphore(%arg12 : memref<!tpu.dma_semaphore, #tpu.memory_space<semaphore_mem>>) src(%dma_wait3A_88 : memref<100000x64xf32, #tpu.memory_space<hbm>>) dst(%dma_wait3A_83 : memref<128x64xf32, #tpu.memory_space<vmem>>)
    %dma_wait3A_89 = arith.constant 128 : i32
    %dma_wait3A_90 = arith.constant 0 : i32
    %dma_wait3A_91 = tpu.memref_slice %arg11[%dma_wait3A_89, %dma_wait3A_90] : memref<512x64xf32, #tpu.memory_space<vmem>> -> memref<128x64xf32, #tpu.memory_space<vmem>>
    %dma_wait3A_92 = arith.constant 128 : i32
    %dma_wait3A_93 = tpu.memref_slice %arg9[%dma_wait3A_92] : memref<512xi32, #tpu.memory_space<vmem>> -> memref<128xi32, #tpu.memory_space<vmem>>
    %dma_wait3A_94 = arith.constant 0 : i32
    %dma_wait3A_95 = arith.constant 0 : i32
    %dma_wait3A_96 = tpu.memref_slice %arg3[%dma_wait3A_94, %dma_wait3A_95] : memref<100000x64xf32, #tpu.memory_space<hbm>> -> memref<100000x64xf32, #tpu.memory_space<hbm>>
    tpu.wait_indirect_dma semaphore(%arg12 : memref<!tpu.dma_semaphore, #tpu.memory_space<semaphore_mem>>) src(%dma_wait3A_96 : memref<100000x64xf32, #tpu.memory_space<hbm>>) dst(%dma_wait3A_91 : memref<128x64xf32, #tpu.memory_space<vmem>>)
    %dma_wait3A_97 = arith.constant 256 : i32
    %dma_wait3A_98 = arith.constant 0 : i32
    %dma_wait3A_99 = tpu.memref_slice %arg10[%dma_wait3A_97, %dma_wait3A_98] : memref<512x64xf32, #tpu.memory_space<vmem>> -> memref<128x64xf32, #tpu.memory_space<vmem>>
    %dma_wait3A_100 = arith.constant 256 : i32
    %dma_wait3A_101 = tpu.memref_slice %arg8[%dma_wait3A_100] : memref<512xi32, #tpu.memory_space<vmem>> -> memref<128xi32, #tpu.memory_space<vmem>>
    %dma_wait3A_102 = arith.constant 0 : i32
    %dma_wait3A_103 = arith.constant 0 : i32
    %dma_wait3A_104 = tpu.memref_slice %arg2[%dma_wait3A_102, %dma_wait3A_103] : memref<100000x64xf32, #tpu.memory_space<hbm>> -> memref<100000x64xf32, #tpu.memory_space<hbm>>
    tpu.wait_indirect_dma semaphore(%arg12 : memref<!tpu.dma_semaphore, #tpu.memory_space<semaphore_mem>>) src(%dma_wait3A_104 : memref<100000x64xf32, #tpu.memory_space<hbm>>) dst(%dma_wait3A_99 : memref<128x64xf32, #tpu.memory_space<vmem>>)
    %dma_wait3A_105 = arith.constant 256 : i32
    %dma_wait3A_106 = arith.constant 0 : i32
    %dma_wait3A_107 = tpu.memref_slice %arg11[%dma_wait3A_105, %dma_wait3A_106] : memref<512x64xf32, #tpu.memory_space<vmem>> -> memref<128x64xf32, #tpu.memory_space<vmem>>
    %dma_wait3A_108 = arith.constant 256 : i32
    %dma_wait3A_109 = tpu.memref_slice %arg9[%dma_wait3A_108] : memref<512xi32, #tpu.memory_space<vmem>> -> memref<128xi32, #tpu.memory_space<vmem>>
    %dma_wait3A_110 = arith.constant 0 : i32
    %dma_wait3A_111 = arith.constant 0 : i32
    %dma_wait3A_112 = tpu.memref_slice %arg3[%dma_wait3A_110, %dma_wait3A_111] : memref<100000x64xf32, #tpu.memory_space<hbm>> -> memref<100000x64xf32, #tpu.memory_space<hbm>>
    tpu.wait_indirect_dma semaphore(%arg12 : memref<!tpu.dma_semaphore, #tpu.memory_space<semaphore_mem>>) src(%dma_wait3A_112 : memref<100000x64xf32, #tpu.memory_space<hbm>>) dst(%dma_wait3A_107 : memref<128x64xf32, #tpu.memory_space<vmem>>)
    %dma_wait3A_113 = arith.constant 384 : i32
    %dma_wait3A_114 = arith.constant 0 : i32
    %dma_wait3A_115 = tpu.memref_slice %arg10[%dma_wait3A_113, %dma_wait3A_114] : memref<512x64xf32, #tpu.memory_space<vmem>> -> memref<128x64xf32, #tpu.memory_space<vmem>>
    %dma_wait3A_116 = arith.constant 384 : i32
    %dma_wait3A_117 = tpu.memref_slice %arg8[%dma_wait3A_116] : memref<512xi32, #tpu.memory_space<vmem>> -> memref<128xi32, #tpu.memory_space<vmem>>
    %dma_wait3A_118 = arith.constant 0 : i32
    %dma_wait3A_119 = arith.constant 0 : i32
    %dma_wait3A_120 = tpu.memref_slice %arg2[%dma_wait3A_118, %dma_wait3A_119] : memref<100000x64xf32, #tpu.memory_space<hbm>> -> memref<100000x64xf32, #tpu.memory_space<hbm>>
    tpu.wait_indirect_dma semaphore(%arg12 : memref<!tpu.dma_semaphore, #tpu.memory_space<semaphore_mem>>) src(%dma_wait3A_120 : memref<100000x64xf32, #tpu.memory_space<hbm>>) dst(%dma_wait3A_115 : memref<128x64xf32, #tpu.memory_space<vmem>>)
    %dma_wait3A_121 = arith.constant 384 : i32
    %dma_wait3A_122 = arith.constant 0 : i32
    %dma_wait3A_123 = tpu.memref_slice %arg11[%dma_wait3A_121, %dma_wait3A_122] : memref<512x64xf32, #tpu.memory_space<vmem>> -> memref<128x64xf32, #tpu.memory_space<vmem>>
    %dma_wait3A_124 = arith.constant 384 : i32
    %dma_wait3A_125 = tpu.memref_slice %arg9[%dma_wait3A_124] : memref<512xi32, #tpu.memory_space<vmem>> -> memref<128xi32, #tpu.memory_space<vmem>>
    %dma_wait3A_126 = arith.constant 0 : i32
    %dma_wait3A_127 = arith.constant 0 : i32
    %dma_wait3A_128 = tpu.memref_slice %arg3[%dma_wait3A_126, %dma_wait3A_127] : memref<100000x64xf32, #tpu.memory_space<hbm>> -> memref<100000x64xf32, #tpu.memory_space<hbm>>
    tpu.wait_indirect_dma semaphore(%arg12 : memref<!tpu.dma_semaphore, #tpu.memory_space<semaphore_mem>>) src(%dma_wait3A_128 : memref<100000x64xf32, #tpu.memory_space<hbm>>) dst(%dma_wait3A_123 : memref<128x64xf32, #tpu.memory_space<vmem>>)
    "tpu.region"() ({
      %run_scoped3A = tpu.sem_alloc : memref<!tpu.dma_semaphore, #tpu.memory_space<semaphore_mem>>
      %dma_start3A_129 = arith.constant 0 : i32
      %dma_start3A_130 = tpu.memref_slice %arg6[%mul3A_2, %dma_start3A_129] : memref<16384x64xf32, #tpu.memory_space<hbm>> -> memref<512x64xf32, #tpu.memory_space<hbm>>
      %dma_start3A_131 = arith.constant 0 : i32
      %dma_start3A_132 = tpu.memref_slice %arg6[%mul3A_2, %dma_start3A_131] : memref<16384x64xf32, #tpu.memory_space<hbm>> -> memref<512x64xf32, #tpu.memory_space<hbm>>
      tpu.enqueue_dma source(%arg10 : memref<512x64xf32, #tpu.memory_space<vmem>>) target(%dma_start3A_132 : memref<512x64xf32, #tpu.memory_space<hbm>>) target_semaphore(%run_scoped3A : memref<!tpu.dma_semaphore, #tpu.memory_space<semaphore_mem>>)
      %dma_wait3A_133 = arith.constant 0 : i32
      %dma_wait3A_134 = tpu.memref_slice %arg6[%mul3A_2, %dma_wait3A_133] : memref<16384x64xf32, #tpu.memory_space<hbm>> -> memref<512x64xf32, #tpu.memory_space<hbm>>
      %dma_wait3A_135 = arith.constant 0 : i32
      %dma_wait3A_136 = tpu.memref_slice %arg6[%mul3A_2, %dma_wait3A_135] : memref<16384x64xf32, #tpu.memory_space<hbm>> -> memref<512x64xf32, #tpu.memory_space<hbm>>
      tpu.wait_dma2 semaphore(%run_scoped3A : memref<!tpu.dma_semaphore, #tpu.memory_space<semaphore_mem>>) src(%arg10 : memref<512x64xf32, #tpu.memory_space<vmem>>) dst(%dma_wait3A_136 : memref<512x64xf32, #tpu.memory_space<hbm>>)
      tpu.yield
    }) : () -> ()
    "tpu.region"() ({
      %run_scoped3A = tpu.sem_alloc : memref<!tpu.dma_semaphore, #tpu.memory_space<semaphore_mem>>
      %dma_start3A_129 = arith.constant 0 : i32
      %dma_start3A_130 = tpu.memref_slice %arg7[%mul3A_2, %dma_start3A_129] : memref<16384x64xf32, #tpu.memory_space<hbm>> -> memref<512x64xf32, #tpu.memory_space<hbm>>
      %dma_start3A_131 = arith.constant 0 : i32
      %dma_start3A_132 = tpu.memref_slice %arg7[%mul3A_2, %dma_start3A_131] : memref<16384x64xf32, #tpu.memory_space<hbm>> -> memref<512x64xf32, #tpu.memory_space<hbm>>
      tpu.enqueue_dma source(%arg11 : memref<512x64xf32, #tpu.memory_space<vmem>>) target(%dma_start3A_132 : memref<512x64xf32, #tpu.memory_space<hbm>>) target_semaphore(%run_scoped3A : memref<!tpu.dma_semaphore, #tpu.memory_space<semaphore_mem>>)
      %dma_wait3A_133 = arith.constant 0 : i32
      %dma_wait3A_134 = tpu.memref_slice %arg7[%mul3A_2, %dma_wait3A_133] : memref<16384x64xf32, #tpu.memory_space<hbm>> -> memref<512x64xf32, #tpu.memory_space<hbm>>
      %dma_wait3A_135 = arith.constant 0 : i32
      %dma_wait3A_136 = tpu.memref_slice %arg7[%mul3A_2, %dma_wait3A_135] : memref<16384x64xf32, #tpu.memory_space<hbm>> -> memref<512x64xf32, #tpu.memory_space<hbm>>
      tpu.wait_dma2 semaphore(%run_scoped3A : memref<!tpu.dma_semaphore, #tpu.memory_space<semaphore_mem>>) src(%arg11 : memref<512x64xf32, #tpu.memory_space<vmem>>) dst(%dma_wait3A_136 : memref<512x64xf32, #tpu.memory_space<hbm>>)
      tpu.yield
    }) : () -> ()
    return
  }
}

module attributes {stable_mosaic.version = 14 : i64} {
  func.func @_tc_body(%arg0: i32, %arg1: memref<2048xf32, #tpu.memory_space<vmem>>, %arg2: memref<2048xf32, #tpu.memory_space<vmem>>, %arg3: memref<2048xf32, #tpu.memory_space<vmem>>, %arg4: memref<2048xf32, #tpu.memory_space<vmem>>, %arg5: memref<2048xf32, #tpu.memory_space<vmem>>, %arg6: memref<2048xf32, #tpu.memory_space<vmem>>, %arg7: memref<2048xf32, #tpu.memory_space<vmem>>, %arg8: memref<2048x32xf32, #tpu.memory_space<vmem>>, %arg9: memref<2048x64xf32, #tpu.memory_space<vmem>>, %arg10: memref<2048x64xf32, #tpu.memory_space<vmem>>, %arg11: memref<7x96xf32, #tpu.memory_space<vmem>>, %arg12: memref<1x96xf32, #tpu.memory_space<vmem>>, %arg13: memref<96x96xf32, #tpu.memory_space<vmem>>, %arg14: memref<1x96xf32, #tpu.memory_space<vmem>>, %arg15: memref<32x32xf32, #tpu.memory_space<vmem>>, %arg16: memref<256x256xf32, #tpu.memory_space<vmem>>, %arg17: memref<1x256xf32, #tpu.memory_space<vmem>>, %arg18: memref<256x256xf32, #tpu.memory_space<vmem>>, %arg19: memref<1x256xf32, #tpu.memory_space<vmem>>, %arg20: memref<2048x256xf32, #tpu.memory_space<vmem>>) attributes {dimension_semantics = [#tpu.dimension_semantics<arbitrary>], iteration_bounds = array<i64: 8>, scalar_prefetch = 0 : i64, scratch_operands = 0 : i64, tpu.core_type = #tpu.core_type<tc>, window_params = [{transform_indices = @transform_0, window_bounds = array<i64: 2048>}, {transform_indices = @transform_1, window_bounds = array<i64: 2048>}, {transform_indices = @transform_2, window_bounds = array<i64: 2048>}, {transform_indices = @transform_3, window_bounds = array<i64: 2048>}, {transform_indices = @transform_4, window_bounds = array<i64: 2048>}, {transform_indices = @transform_5, window_bounds = array<i64: 2048>}, {transform_indices = @transform_6, window_bounds = array<i64: 2048>}, {transform_indices = @transform_7, window_bounds = array<i64: 2048, 32>}, {transform_indices = @transform_8, window_bounds = array<i64: 2048, 64>}, {transform_indices = @transform_9, window_bounds = array<i64: 2048, 64>}, {pipeline_mode = #tpu.pipeline_mode<synchronous>, transform_indices = @transform_10, window_bounds = array<i64: 7, 96>}, {pipeline_mode = #tpu.pipeline_mode<synchronous>, transform_indices = @transform_11, window_bounds = array<i64: 1, 96>}, {pipeline_mode = #tpu.pipeline_mode<synchronous>, transform_indices = @transform_12, window_bounds = array<i64: 96, 96>}, {pipeline_mode = #tpu.pipeline_mode<synchronous>, transform_indices = @transform_13, window_bounds = array<i64: 1, 96>}, {pipeline_mode = #tpu.pipeline_mode<synchronous>, transform_indices = @transform_14, window_bounds = array<i64: 32, 32>}, {pipeline_mode = #tpu.pipeline_mode<synchronous>, transform_indices = @transform_15, window_bounds = array<i64: 256, 256>}, {pipeline_mode = #tpu.pipeline_mode<synchronous>, transform_indices = @transform_16, window_bounds = array<i64: 1, 256>}, {pipeline_mode = #tpu.pipeline_mode<synchronous>, transform_indices = @transform_17, window_bounds = array<i64: 256, 256>}, {pipeline_mode = #tpu.pipeline_mode<synchronous>, transform_indices = @transform_18, window_bounds = array<i64: 1, 256>}, {transform_indices = @transform_19, window_bounds = array<i64: 2048, 256>}]} {
    %get3A = arith.constant 0 : index
    %get3A_0 = vector.load %arg1[%get3A] : memref<2048xf32, #tpu.memory_space<vmem>>, vector<2048xf32>
    %get3A_1 = arith.constant 0 : index
    %get3A_2 = vector.load %arg2[%get3A_1] : memref<2048xf32, #tpu.memory_space<vmem>>, vector<2048xf32>
    %get3A_3 = arith.constant 0 : index
    %get3A_4 = vector.load %arg3[%get3A_3] : memref<2048xf32, #tpu.memory_space<vmem>>, vector<2048xf32>
    %get3A_5 = arith.constant 0 : index
    %get3A_6 = vector.load %arg4[%get3A_5] : memref<2048xf32, #tpu.memory_space<vmem>>, vector<2048xf32>
    %get3A_7 = arith.constant 0 : index
    %get3A_8 = vector.load %arg5[%get3A_7] : memref<2048xf32, #tpu.memory_space<vmem>>, vector<2048xf32>
    %get3A_9 = arith.constant 0 : index
    %get3A_10 = vector.load %arg6[%get3A_9] : memref<2048xf32, #tpu.memory_space<vmem>>, vector<2048xf32>
    %get3A_11 = arith.constant 0 : index
    %get3A_12 = vector.load %arg7[%get3A_11] : memref<2048xf32, #tpu.memory_space<vmem>>, vector<2048xf32>
    %stack3A = vector.shape_cast %get3A_0 : vector<2048xf32> to vector<1x2048xf32>
    %stack3A_13 = vector.shape_cast %get3A_2 : vector<2048xf32> to vector<1x2048xf32>
    %stack3A_14 = vector.shape_cast %get3A_4 : vector<2048xf32> to vector<1x2048xf32>
    %stack3A_15 = vector.shape_cast %get3A_6 : vector<2048xf32> to vector<1x2048xf32>
    %stack3A_16 = vector.shape_cast %get3A_8 : vector<2048xf32> to vector<1x2048xf32>
    %stack3A_17 = vector.shape_cast %get3A_10 : vector<2048xf32> to vector<1x2048xf32>
    %stack3A_18 = vector.shape_cast %get3A_12 : vector<2048xf32> to vector<1x2048xf32>
    %stack3A_19 = tpu.concatenate %stack3A, %stack3A_13, %stack3A_14, %stack3A_15, %stack3A_16, %stack3A_17, %stack3A_18 in 0 : vector<1x2048xf32>, vector<1x2048xf32>, vector<1x2048xf32>, vector<1x2048xf32>, vector<1x2048xf32>, vector<1x2048xf32>, vector<1x2048xf32> -> vector<7x2048xf32>
    %get3A_20 = arith.constant 0 : index
    %get3A_21 = arith.constant 0 : index
    %get3A_22 = vector.load %arg11[%get3A_20, %get3A_21] : memref<7x96xf32, #tpu.memory_space<vmem>>, vector<7x96xf32>
    %dot_general3A = arith.constant dense<0.000000e+00> : vector<2048x96xf32>
    %dot_general3A_23 = tpu.matmul %stack3A_19, %get3A_22, %dot_general3A {dimension_numbers = #tpu.dot_dimension_numbers<[0], [0], [1], [1], [0, 1, 1, 1], [], []>, transpose_lhs_hint = false} : vector<7x2048xf32>, vector<7x96xf32>, vector<2048x96xf32> -> vector<2048x96xf32>
    %get3A_24 = arith.constant 0 : index
    %get3A_25 = arith.constant 0 : index
    %get3A_26 = vector.load %arg12[%get3A_24, %get3A_25] : memref<1x96xf32, #tpu.memory_space<vmem>>, vector<1x96xf32>
    %add3A = vector.broadcast %get3A_26 : vector<1x96xf32> to vector<2048x96xf32>
    %add3A_27 = arith.addf %dot_general3A_23, %add3A : vector<2048x96xf32>
    %max3A = arith.constant 0.000000e+00 : f32
    %max3A_28 = vector.broadcast %max3A : f32 to vector<2048x96xf32>
    %max3A_29 = arith.maximumf %add3A_27, %max3A_28 : vector<2048x96xf32>
    %get3A_30 = arith.constant 0 : index
    %get3A_31 = arith.constant 0 : index
    %get3A_32 = vector.load %arg13[%get3A_30, %get3A_31] : memref<96x96xf32, #tpu.memory_space<vmem>>, vector<96x96xf32>
    %dot_general3A_33 = arith.constant dense<0.000000e+00> : vector<2048x96xf32>
    %dot_general3A_34 = tpu.matmul %max3A_29, %get3A_32, %dot_general3A_33 {dimension_numbers = #tpu.dot_dimension_numbers<[1], [0], [0], [1], [0, 0, 1, 1], [], []>, transpose_lhs_hint = false} : vector<2048x96xf32>, vector<96x96xf32>, vector<2048x96xf32> -> vector<2048x96xf32>
    %get3A_35 = arith.constant 0 : index
    %get3A_36 = arith.constant 0 : index
    %get3A_37 = vector.load %arg14[%get3A_35, %get3A_36] : memref<1x96xf32, #tpu.memory_space<vmem>>, vector<1x96xf32>
    %add3A_38 = vector.broadcast %get3A_37 : vector<1x96xf32> to vector<2048x96xf32>
    %add3A_39 = arith.addf %dot_general3A_34, %add3A_38 : vector<2048x96xf32>
    %get3A_40 = arith.constant 0 : index
    %get3A_41 = arith.constant 0 : index
    %get3A_42 = vector.load %arg8[%get3A_40, %get3A_41] : memref<2048x32xf32, #tpu.memory_space<vmem>>, vector<2048x32xf32>
    %gt3A = arith.constant 5.000000e-01 : f32
    %gt3A_43 = vector.broadcast %gt3A : f32 to vector<2048x32xf32>
    %gt3A_44 = arith.cmpf ogt, %get3A_42, %gt3A_43 : vector<2048x32xf32>
    %convert_element_type3A = arith.extui %gt3A_44 : vector<2048x32xi1> to vector<2048x32xi32>
    %convert_element_type3A_45 = arith.sitofp %convert_element_type3A : vector<2048x32xi32> to vector<2048x32xf32>
    %reduce_sum3A = arith.constant dense<0.000000e+00> : vector<2048xf32>
    %reduce_sum3A_46 = vector.multi_reduction <add>, %convert_element_type3A_45, %reduce_sum3A [1] : vector<2048x32xf32> to vector<2048xf32>
    %broadcast_in_dim3A = vector.shape_cast %reduce_sum3A_46 : vector<2048xf32> to vector<2048x1xf32>
    %get3A_47 = arith.constant 0 : index
    %get3A_48 = arith.constant 0 : index
    %get3A_49 = vector.load %arg15[%get3A_47, %get3A_48] : memref<32x32xf32, #tpu.memory_space<vmem>>, vector<32x32xf32>
    %dot_general3A_50 = arith.constant dense<0.000000e+00> : vector<2048x32xf32>
    %dot_general3A_51 = tpu.matmul %convert_element_type3A_45, %get3A_49, %dot_general3A_50 {dimension_numbers = #tpu.dot_dimension_numbers<[1], [0], [0], [1], [0, 0, 1, 1], [], []>, transpose_lhs_hint = false} : vector<2048x32xf32>, vector<32x32xf32>, vector<2048x32xf32> -> vector<2048x32xf32>
    %gt3A_52 = arith.constant 0.000000e+00 : f32
    %gt3A_53 = vector.broadcast %gt3A_52 : f32 to vector<2048x1xf32>
    %gt3A_54 = arith.cmpf ogt, %broadcast_in_dim3A, %gt3A_53 : vector<2048x1xf32>
    %max3A_55 = arith.constant 1.000000e+00 : f32
    %max3A_56 = vector.broadcast %max3A_55 : f32 to vector<2048x1xf32>
    %max3A_57 = arith.maximumf %broadcast_in_dim3A, %max3A_56 : vector<2048x1xf32>
    %div3A = vector.broadcast %max3A_57 : vector<2048x1xf32> to vector<2048x32xf32>
    %div3A_58 = arith.divf %dot_general3A_51, %div3A : vector<2048x32xf32>
    %broadcast_in_dim3A_59 = arith.constant 0.000000e+00 : f32
    %broadcast_in_dim3A_60 = vector.broadcast %broadcast_in_dim3A_59 : f32 to vector<2048x32xf32>
    %broadcast_in_dim3A_61 = vector.shape_cast %gt3A_54 : vector<2048x1xi1> to vector<2048x1xi1>
    %broadcast_in_dim3A_62 = vector.broadcast %broadcast_in_dim3A_61 : vector<2048x1xi1> to vector<2048x32xi1>
    %select_n3A = arith.select %broadcast_in_dim3A_62, %div3A_58, %broadcast_in_dim3A_60 : vector<2048x32xi1>, vector<2048x32xf32>
    %get3A_63 = arith.constant 0 : index
    %get3A_64 = arith.constant 0 : index
    %get3A_65 = vector.load %arg9[%get3A_63, %get3A_64] : memref<2048x64xf32, #tpu.memory_space<vmem>>, vector<2048x64xf32>
    %get3A_66 = arith.constant 0 : index
    %get3A_67 = arith.constant 0 : index
    %get3A_68 = vector.load %arg10[%get3A_66, %get3A_67] : memref<2048x64xf32, #tpu.memory_space<vmem>>, vector<2048x64xf32>
    %concatenate3A = tpu.concatenate %add3A_39, %get3A_65, %get3A_68, %select_n3A in 1 : vector<2048x96xf32>, vector<2048x64xf32>, vector<2048x64xf32>, vector<2048x32xf32> -> vector<2048x256xf32>
    %get3A_69 = arith.constant 0 : index
    %get3A_70 = arith.constant 0 : index
    %get3A_71 = vector.load %arg16[%get3A_69, %get3A_70] : memref<256x256xf32, #tpu.memory_space<vmem>>, vector<256x256xf32>
    %dot_general3A_72 = arith.constant dense<0.000000e+00> : vector<2048x256xf32>
    %dot_general3A_73 = tpu.matmul %concatenate3A, %get3A_71, %dot_general3A_72 {dimension_numbers = #tpu.dot_dimension_numbers<[1], [0], [0], [1], [0, 0, 1, 1], [], []>, transpose_lhs_hint = false} : vector<2048x256xf32>, vector<256x256xf32>, vector<2048x256xf32> -> vector<2048x256xf32>
    %get3A_74 = arith.constant 0 : index
    %get3A_75 = arith.constant 0 : index
    %get3A_76 = vector.load %arg17[%get3A_74, %get3A_75] : memref<1x256xf32, #tpu.memory_space<vmem>>, vector<1x256xf32>
    %add3A_77 = vector.broadcast %get3A_76 : vector<1x256xf32> to vector<2048x256xf32>
    %add3A_78 = arith.addf %dot_general3A_73, %add3A_77 : vector<2048x256xf32>
    %max3A_79 = arith.constant 0.000000e+00 : f32
    %max3A_80 = vector.broadcast %max3A_79 : f32 to vector<2048x256xf32>
    %max3A_81 = arith.maximumf %add3A_78, %max3A_80 : vector<2048x256xf32>
    %get3A_82 = arith.constant 0 : index
    %get3A_83 = arith.constant 0 : index
    %get3A_84 = vector.load %arg18[%get3A_82, %get3A_83] : memref<256x256xf32, #tpu.memory_space<vmem>>, vector<256x256xf32>
    %dot_general3A_85 = arith.constant dense<0.000000e+00> : vector<2048x256xf32>
    %dot_general3A_86 = tpu.matmul %max3A_81, %get3A_84, %dot_general3A_85 {dimension_numbers = #tpu.dot_dimension_numbers<[1], [0], [0], [1], [0, 0, 1, 1], [], []>, transpose_lhs_hint = false} : vector<2048x256xf32>, vector<256x256xf32>, vector<2048x256xf32> -> vector<2048x256xf32>
    %get3A_87 = arith.constant 0 : index
    %get3A_88 = arith.constant 0 : index
    %get3A_89 = vector.load %arg19[%get3A_87, %get3A_88] : memref<1x256xf32, #tpu.memory_space<vmem>>, vector<1x256xf32>
    %add3A_90 = vector.broadcast %get3A_89 : vector<1x256xf32> to vector<2048x256xf32>
    %add3A_91 = arith.addf %dot_general3A_86, %add3A_90 : vector<2048x256xf32>
    %swap3A = arith.constant 0 : index
    %swap3A_92 = arith.constant 0 : index
    %swap3A_93 = vector.load %arg20[%swap3A, %swap3A_92] : memref<2048x256xf32, #tpu.memory_space<vmem>>, vector<2048x256xf32>
    tpu.vector_store %arg20[%swap3A, %swap3A_92], %add3A_91 {strides = array<i32>} : memref<2048x256xf32, #tpu.memory_space<vmem>>, vector<2048x256xf32>,
    return
  }
  func.func @transform_0(%arg0: i32) -> i32 {
    %c0_i32 = arith.constant 0 : i32
    return %arg0 : i32
  }
  func.func @transform_1(%arg0: i32) -> i32 {
    %c0_i32 = arith.constant 0 : i32
    return %arg0 : i32
  }
  func.func @transform_2(%arg0: i32) -> i32 {
    %c0_i32 = arith.constant 0 : i32
    return %arg0 : i32
  }
  func.func @transform_3(%arg0: i32) -> i32 {
    %c0_i32 = arith.constant 0 : i32
    return %arg0 : i32
  }
  func.func @transform_4(%arg0: i32) -> i32 {
    %c0_i32 = arith.constant 0 : i32
    return %arg0 : i32
  }
  func.func @transform_5(%arg0: i32) -> i32 {
    %c0_i32 = arith.constant 0 : i32
    return %arg0 : i32
  }
  func.func @transform_6(%arg0: i32) -> i32 {
    %c0_i32 = arith.constant 0 : i32
    return %arg0 : i32
  }
  func.func @transform_7(%arg0: i32) -> (i32, i32) {
    %c0_i32 = arith.constant 0 : i32
    %c0_i32_0 = arith.constant 0 : i32
    return %arg0, %c0_i32 : i32, i32
  }
  func.func @transform_8(%arg0: i32) -> (i32, i32) {
    %c0_i32 = arith.constant 0 : i32
    %c0_i32_0 = arith.constant 0 : i32
    return %arg0, %c0_i32 : i32, i32
  }
  func.func @transform_9(%arg0: i32) -> (i32, i32) {
    %c0_i32 = arith.constant 0 : i32
    %c0_i32_0 = arith.constant 0 : i32
    return %arg0, %c0_i32 : i32, i32
  }
  func.func @transform_10(%arg0: i32) -> (i32, i32) {
    %c0_i32 = arith.constant 0 : i32
    %c0_i32_0 = arith.constant 0 : i32
    %c0_i32_1 = arith.constant 0 : i32
    return %c0_i32, %c0_i32_0 : i32, i32
  }
  func.func @transform_11(%arg0: i32) -> (i32, i32) {
    %c0_i32 = arith.constant 0 : i32
    %c0_i32_0 = arith.constant 0 : i32
    %c0_i32_1 = arith.constant 0 : i32
    return %c0_i32, %c0_i32_0 : i32, i32
  }
  func.func @transform_12(%arg0: i32) -> (i32, i32) {
    %c0_i32 = arith.constant 0 : i32
    %c0_i32_0 = arith.constant 0 : i32
    %c0_i32_1 = arith.constant 0 : i32
    return %c0_i32, %c0_i32_0 : i32, i32
  }
  func.func @transform_13(%arg0: i32) -> (i32, i32) {
    %c0_i32 = arith.constant 0 : i32
    %c0_i32_0 = arith.constant 0 : i32
    %c0_i32_1 = arith.constant 0 : i32
    return %c0_i32, %c0_i32_0 : i32, i32
  }
  func.func @transform_14(%arg0: i32) -> (i32, i32) {
    %c0_i32 = arith.constant 0 : i32
    %c0_i32_0 = arith.constant 0 : i32
    %c0_i32_1 = arith.constant 0 : i32
    return %c0_i32, %c0_i32_0 : i32, i32
  }
  func.func @transform_15(%arg0: i32) -> (i32, i32) {
    %c0_i32 = arith.constant 0 : i32
    %c0_i32_0 = arith.constant 0 : i32
    %c0_i32_1 = arith.constant 0 : i32
    return %c0_i32, %c0_i32_0 : i32, i32
  }
  func.func @transform_16(%arg0: i32) -> (i32, i32) {
    %c0_i32 = arith.constant 0 : i32
    %c0_i32_0 = arith.constant 0 : i32
    %c0_i32_1 = arith.constant 0 : i32
    return %c0_i32, %c0_i32_0 : i32, i32
  }
  func.func @transform_17(%arg0: i32) -> (i32, i32) {
    %c0_i32 = arith.constant 0 : i32
    %c0_i32_0 = arith.constant 0 : i32
    %c0_i32_1 = arith.constant 0 : i32
    return %c0_i32, %c0_i32_0 : i32, i32
  }
  func.func @transform_18(%arg0: i32) -> (i32, i32) {
    %c0_i32 = arith.constant 0 : i32
    %c0_i32_0 = arith.constant 0 : i32
    %c0_i32_1 = arith.constant 0 : i32
    return %c0_i32, %c0_i32_0 : i32, i32
  }
  func.func @transform_19(%arg0: i32) -> (i32, i32) {
    %c0_i32 = arith.constant 0 : i32
    %c0_i32_0 = arith.constant 0 : i32
    return %arg0, %c0_i32 : i32, i32
  }
}

</mosaic_0001>

<sc_bundles>
// kernel: kernel.4.cloned.1.call-start
scs
__scs_entry_jumppad:
0x0: {  	(pc) =	sbr.rel $0x88, $3  }
0x1: {  	(tag) =	ssettag $0x0;
	lr =	simm.s32 $0x1  }
0x2: {  	[smem:$0x3F84] =	sst lr;
	_ =	strace $0xD0000000  }
0x3: {  	_ = 	snop  }
0x4: {  	_ = 	snop  }
0x5: {  	_ = 	snop  }
0x6: {  	_ = 	snop  }
0x7: {  	_ = 	snop  }
__scs_overlays_trampoline_lowered:
0x8: {  	[smem:$0x3F93] =	sst s0  }
0x9: {  	[smem:$0x3F94] =	sst s1  }
0xa: {  	[smem:$0x3F95] =	sst s2  }
0xb: {  	[smem:$0x3F96] =	sst s3  }
0xc: {  	[smem:$0x3F97] =	sst s4  }
0xd: {  	[smem:$0x3F98] =	sst s5  }
0xe: {  	[smem:$0x3F99] =	sst s6  }
0xf: {  	[smem:$0x3F9A] =	sst s7  }
0x10: {  	[smem:$0x3F9B] =	sst s8  }
0x11: {  	[smem:$0x3F9C] =	sst s9;
	s0 =	simm.s32 @!p0 $0x0  }
0x12: {  	s1 =	sld [smem:$0x3F82];
	s0 =	simm.s32 @p0 $0x1  }
0x13: {  	[smem:$0x3F9D] =	sst s0;
	s0 =	simm.s32 @!p1 $0x0  }
0x14: {  	s2 =	sld [smem:$0x3F81];
	s0 =	simm.s32 @p1 $0x1  }
0x15: {  	[smem:$0x3F9E] =	sst s0;
	s0 =	simm.s32 @!p2 $0x0  }
0x16: {  	s3 =	sld [smem:$0x3FDB];
	s0 =	simm.s32 @p2 $0x1  }
0x17: {  	s4 =	simm.s32 $0x1BF5;
	[smem:$0x3FA0] =	sst s0  }
0x18: {  	s0 =	sld [smem:$0x3F83];
	_ =	swait.ge [sflag:s4], $0x0  }
0x19: {  	s7 =	sld [smem:$0x3F84]  }
0x1a: {  	s8 =	sadd.s32 $0xFFFFE003, lr  }
0x1b: {  	s9 =	sadd.s32 $0xFFFFFEF7, lr;
	s5 =	simm.s32 $0xFFFFFFFF;
	p2 =	slt.u32 s8, $0xFFFFF086  }
0x1c: {  	p1 =	slt.u32 s9, $0xF7A;
	s5 =	simm.s32 @!p2 $0x0  }
0x1d: {  	s5 =	simm.s32 @p1 $0x1;
	p0 =	seq.s32 s7, s2  }
0x1e: {  	s7 =	smul.u32 @!p0 $0xF7A, s2;
	p2 =	seq.s32 @!p0 s5, $0x0  }
0x1f: {  	s9 =	smul.u32 $0xF7A, s1;
	s8 =	simm.s32 @!p0 $0x1BF5;
	p2 =	por !p2, p0  }
0x20: {  	[sflag:s8] =	ssyncset.s32 @!p0 $0xFFFFF086;
	s6 =	sadd.s32 @!p0 s3, s7;
	s7 =	simm.s32 @!p0 $0x108  }
0x21: {  	s3 =	sadd.s32 s3, s9;
	s6 =	sadd.s32 @!p0 $0x88, s6;
	s7 =	simm.s32 @p2 $0x1082  }
0x22: {  	[simem:s7], [sflag:s8] =	dma.local @!p0 [hbm:s6], $0xF7A  }
0x23: {  	s9 =	sor.u32 $0xD0000000, s2;
	s6 =	simm.s32 $0x108;
	_ =	swait.ge @!p0 [sflag:s8], $0x0  }
0x24: {  	s3 =	sadd.s32 $0x88, s3;
	s6 =	simm.s32 @!p1 $0x1082;
	[sflag:s4] =	ssyncset.s32 $0xFFFFF086  }
0x25: {  	[simem:s6], [sflag:s4] =	dma.local [hbm:s3], $0xF7A  }
0x26: {  	[smem:$0x3F84] =	sst s1;
	(tag) =	ssettag s2;
	_ =	strace s9  }
0x27: {  	s1 =	sld [smem:$0x3F94]  }
0x28: {  	s2 =	sld [smem:$0x3F95]  }
0x29: {  	s4 =	sld [smem:$0x3F97]  }
0x2a: {  	p0 =	seq.s32 s5, $0x0;
	s5 =	sld [smem:$0x3F98]  }
0x2b: {  	s6 =	sld [smem:$0x3F99]  }
0x2c: {  	s7 =	sld [smem:$0x3F9A]  }
0x2d: {  	s3 =	simm.s32 $0x108;
	s8 =	sld [smem:$0x3F9B]  }
0x2e: {  	s3 =	simm.s32 @!p0 $0x1082;
	s9 =	sld [smem:$0x3F9C]  }
0x2f: {  	lr =	sadd.s32 s0, s3;
	s0 =	sld [smem:$0x3F93]  }
0x30: {  	s3 =	sld [smem:$0x3F96]  }
0x31: {  	[smem:$0x3F9F] =	sst s10  }
0x32: {  	s10 =	sld [smem:$0x3F9D];
	_ =	sdelay $0x3  }
0x33: {  	p0 =	seq.s32 s10, $0x1;
	s10 =	sld [smem:$0x3F9F];
	_ =	sdelay $0x3  }
0x34: {  	[smem:$0x3F9F] =	sst s10  }
0x35: {  	s10 =	sld [smem:$0x3F9E];
	_ =	sdelay $0x3  }
0x36: {  	p1 =	seq.s32 s10, $0x1;
	s10 =	sld [smem:$0x3F9F];
	_ =	sdelay $0x3  }
0x37: {  	[smem:$0x3F9F] =	sst s10  }
0x38: {  	s10 =	sld [smem:$0x3FA0]  }
0x39: {  	_ = 	snop;
	(pc) =	sbr.ind lr, $3  }
0x3a: {  	_ = 	snop  }
0x3b: {  	_ = 	snop  }
0x3c: {  	p2 =	seq.s32 s10, $0x1;
	s10 =	sld [smem:$0x3F9F]  }
0x3d: {  	_ =	shalt  }
0x3e: {  	_ =	shalt  }
0x3f: {  	_ =	shalt  }
0x40: {  	_ =	shalt  }
0x41: {  	_ =	shalt  }
0x42: {  	_ =	shalt  }
0x43: {  	_ =	shalt  }
0x44: {  	_ =	shalt  }
0x45: {  	_ =	shalt  }
0x46: {  	_ =	shalt  }
0x47: {  	_ =	shalt  }
0x48: {  	_ =	shalt  }
0x49: {  	_ =	shalt  }
0x4a: {  	_ =	shalt  }
0x4b: {  	_ =	shalt  }
0x4c: {  	_ =	shalt  }
0x4d: {  	_ =	shalt  }
0x4e: {  	_ =	shalt  }
0x4f: {  	_ =	shalt  }
0x50: {  	_ =	shalt  }
0x51: {  	_ =	shalt  }
0x52: {  	_ =	shalt  }
0x53: {  	_ =	shalt  }
0x54: {  	_ =	shalt  }
0x55: {  	_ =	shalt  }
0x56: {  	_ =	shalt  }
0x57: {  	_ =	shalt  }
0x58: {  	_ =	shalt  }
0x59: {  	_ =	shalt  }
0x5a: {  	_ =	shalt  }
0x5b: {  	_ =	shalt  }
0x5c: {  	_ =	shalt  }
0x5d: {  	_ =	shalt  }
0x5e: {  	_ =	shalt  }
0x5f: {  	_ =	shalt  }
0x60: {  	_ =	shalt  }
0x61: {  	_ =	shalt  }
0x62: {  	_ =	shalt  }
0x63: {  	_ =	shalt  }
0x64: {  	_ =	shalt  }
0x65: {  	_ =	shalt  }
0x66: {  	_ =	shalt  }
0x67: {  	_ =	shalt  }
0x68: {  	_ =	shalt  }
0x69: {  	_ =	shalt  }
0x6a: {  	_ =	shalt  }
0x6b: {  	_ =	shalt  }
0x6c: {  	_ =	shalt  }
0x6d: {  	_ =	shalt  }
0x6e: {  	_ =	shalt  }
0x6f: {  	_ =	shalt  }
0x70: {  	_ =	shalt  }
0x71: {  	_ =	shalt  }
0x72: {  	_ =	shalt  }
0x73: {  	_ =	shalt  }
0x74: {  	_ =	shalt  }
0x75: {  	_ =	shalt  }
0x76: {  	_ =	shalt  }
0x77: {  	_ =	shalt  }
0x78: {  	_ =	shalt  }
0x79: {  	_ =	shalt  }
0x7a: {  	_ =	shalt  }
0x7b: {  	_ =	shalt  }
0x7c: {  	_ =	shalt  }
0x7d: {  	_ =	shalt  }
0x7e: {  	_ =	shalt  }
0x7f: {  	_ =	shalt  }
0x80: {  	_ =	shalt  }
0x81: {  	_ =	shalt  }
0x82: {  	_ =	shalt  }
0x83: {  	_ =	shalt  }
0x84: {  	_ =	shalt  }
0x85: {  	_ =	shalt  }
0x86: {  	_ =	shalt  }
0x87: {  	_ =	shalt  }
.Lfunc_end0:
.L_simem_size_0:
called_computation_lowered:
.L_overlay_start_0:
0x88: {  	s2 =	sld [smem:$0x3FD9]  }
0x89: {  	s3 =	sld [smem:$0x3FFE];
	_ =	sdelay $0x1  }
0x8a: {  	s1 =	srdreg.scid  }
0x8b: {  	s0 =	sand.u32 $0x1, s1  }
0x8c: {  	s17 =	sshll.u32 s0, $0xA;
	s2 =	sadd.s32 s3, s2  }
0x8d: {  	s2 =	sadd.s32 s2, s17  }
0x8e: {  	[smem:$0x3FAB] =	sst s2  }
0x8f: {  	_ = 	snop  }
0x90: {  	s2 =	sld [smem:$0x3FC2]  }
0x91: {  	s18 =	sld [smem:$0x3FC1]  }
0x92: {  	s4 =	sld [smem:$0x3FD0];
	(tm) =	ssettm $0x1  }
0x93: {  	s5 =	sld [smem:$0x3FFB];
	_ =	sdelay $0x3  }
0x94: {  	_ =	strace s5  }
0x95: {  	s5 =	sld [smem:$0x3FFC];
	_ =	sdelay $0x3  }
0x96: {  	_ =	strace s5  }
0x97: {  	s5 =	sld [smem:$0x3FFD];
	_ =	sdelay $0x3  }
0x98: {  	_ =	strace s5  }
0x99: {  	_ =	strace $0x8FFFFFFF  }
0x9a: {  	s19 =	sld [smem:$0x3FDB];
	_ =	sdelay $0x1  }
0x9b: {  	s6 =	simm.s32 $_scs_section_size  }
0x9c: {  	s7 =	simm.s32 $_size__tile_overlayer_lowered;
	s8 =	simm.s32 $_tile_overlayer_lowered  }
0x9d: {  	s22 =	simm.s32 $0x1BFF;
	s21 =	sshll.u32 s8, $0x1;
	s5 =	sadd.s32 s6, s19  }
0x9e: {  	s9 =	simm.s32 $0x0;
	s20 =	sshll.u32 s7, $0x1;
	s7 =	sadd.s32 s21, s5  }
0x9f: {  	[timem:s9], [sflag:s22] =	dma.local [hbm:s7], s20  }
0xa0: {  	_ =	swait.ge [sflag:s22], s20  }
0xa1: {  	s6 =	ssub.s32 $0x0, s20;
	[sflag:s22] =	ssyncset.done $0x0  }
0xa2: {  	[sflag:s22] =	ssyncadd.s32 s6;
	_ =	sdelay $0x1  }
0xa3: {  	s23 =	simm.s32 $0x1B8B  }
0xa4: {  	_ =	swait.ge [sflag:s23], $0x1  }
0xa5: {  	[sflag:s23] =	ssyncset.done $0x0  }
0xa6: {  	s25 =	simm.s32 $0x1B8E;
	s24 =	sld [smem:$0x3FFE];
	[sflag:s23] =	ssyncadd.s32 $0xFFFFFFFF  }
0xa7: {  	s26 =	simm.s32 $execute0_lowered;
	[smem:$0x3FD2] =	sst s25  }
0xa8: {  	s7 =	sshll.u32 s26, $0x1;
	_ =	strace $0x80000046;
	[dreg:$0x1] =	wrdreg $0xFFFFFFFF  }
0xa9: {  	s28 =	simm.s32 $_size_execute0_lowered;
	s5 =	sadd.s32 s5, s7;
	[dreg:$0x0] =	wrdreg $0x0  }
0xaa: {  	s7 =	sshll.u32 s28, $0x1;
	[dreg:$0x2] =	wrdreg s5  }
0xab: {  	[dreg:$0x3] =	wrdreg s7  }
0xac: {  	[dreg:$0x4] =	wrdreg $0xC0  }
0xad: {  	_ =	task [dreg:s9], $0x5FFFF  }
0xae: {  	[dreg:$0x1] =	wrdreg $0xFFFFFFFF  }
0xaf: {  	[dreg:$0x0] =	wrdreg $0x60  }
0xb0: {  	[dreg:$0x2] =	wrdreg s24  }
0xb1: {  	[dreg:$0x3] =	wrdreg s2  }
0xb2: {  	[dreg:$0x4] =	wrdreg s18  }
0xb3: {  	[dreg:$0x5] =	wrdreg s4  }
0xb4: {  	[dreg:$0x6] =	wrdreg $0x9  }
0xb5: {  	_ =	task.clear_ibuf [dreg:s9], $0x7FFFF;
	_ =	strace $0x90000046  }
0xb6: {  	s29 =	simm.s32 $0x9;
	_ =	strace $0x80000048  }
0xb7: {  	_ =	swait.ge [sflag:s29], $0x1  }
0xb8: {  	[sflag:s29] =	ssyncadd.s32 $0xFFFFFFFF  }
0xb9: {  	_ =	strace $0x90000048  }
0xba: {  	_ =	sfence  }
0xbb: {  	s30 =	sld [smem:$0x0];
	_ =	sdelay $0x2  }
0xbc: {  	s31 =	sshll.u32 s1, $0xD;
	s1 =	sshrl.u32 s1, $0x2  }
0xbd: {  	s3 =	sand.u32 $0x4000, s31;
	s1 =	sadd.s32 s1, s30  }
0xbe: {  	s0 =	sor.u32 s3, s0;
	s1 =	sshll.u32 s1, $0x11  }
0xbf: {  	s0 =	sor.u32 s1, s0  }
0xc0: {  	s0 =	sadd.s32 $0x8F2B, s0  }
0xc1: {  	[sflag:s0] =	ssyncadd.remote.s32 $0x1  }
0xc2: {  	_ =	sfence.sel $0xFFFF  }
0xc3: {  	[dreg:$0x0] =	wrdreg $0xFFFFFFFF;
	(pc) =	sbr.abs _section_cstart, $3  }
0xc4: {  	[dreg:$0x1] =	wrdreg $0xFFFFFFFF  }
0xc5: {  	_ =	task.clear_ibuf [dreg:s9], $0x2FFFF;
	_ =	strace $0x9FFFFFFF  }
0xc6: {  	(tm) =	ssettm $0x7FFFFFFF  }
0xc7: {  	_ =	shalt  }
tec
execute0_lowered:
.L_overlay_start_1:
0x0: {  	(tag) =	ssettag $0x1  }
0x1: {  	s25 =	rddreg [dreg:$0x0]  }
0x2: {  	s3 =	rddreg [dreg:$0x1];
	s1 =	srdreg.scid  }
0x3: {  	s5 =	rddreg [dreg:$0x2];
	s0 =	stileid.u32;
	s26 =	sand.u32 $0x1, s1  }
0x4: {  	s24 =	rddreg [dreg:$0x3];
	s4 =	sshll.u32 s0, $0xA;
	s6 =	sshll.u32 s26, $0x9  }
0x5: {  	s2 =	simm.s32 $0x0;
	s1 =	rddreg [dreg:$0x4];
	s28 =	sor.u32 s6, s4  }
0x6: {  	[smem:$0x7FF] =	sst s2;
	s6 =	sshrl.u32 s28, $0x3  }
0x7: {  	_ =	strace $0x80000047;
	s4 =	sadd.s32 s3, s6;
	s3 =	simm.s32 $0x2  }
0x8: {  	[tilespmem:s2], [sflag:$0x2] =	stream.linear.gather [hbm4b:s4+s2], $0x200, $0x38;
	[tilespmem:$0x10400] =	vst v63  }
0x9: {  	_ =	swait.ge [sflag:s3], $0x200  }
0xa: {  	[sflag:s3] =	ssyncset.done $0x0  }
0xb: {  	s5 =	sadd.s32 s5, s6;
	s6 =	simm.s32 $0x200;
	[sflag:s3] =	ssyncadd.s32 $0xFFFFFE00  }
0xc: {  	[tilespmem:s6], [sflag:$0x2] =	stream.linear.gather [hbm4b:s5+s2], $0x200, $0x38;
	[tilespmem:$0x10400] =	vst v63  }
0xd: {  	_ =	swait.ge [sflag:s3], $0x200  }
0xe: {  	s8 =	simm.s32 $0x80;
	[sflag:s3] =	ssyncset.done $0x0  }
0xf: {  	s9 =	simm.s32 $0x400;
	s7 =	sadd.s32 $0x250000, s25;
	[sflag:s3] =	ssyncadd.s32 $0xFFFFFE00  }
0x10: {  	[tilespmem:s9], [sflag:$0x1] =	stream.indirect.gather [hbm4b:s7+s8], $0x40, s2, s8, $0xb8;
	[tilespmem:$0x10400] =	vst v63  }
0x11: {  	s11 =	simm.s32 $0x8400;
	s10 =	sadd.s32 $0x18CA00, s25  }
0x12: {  	[tilespmem:s11], [sflag:$0x1] =	stream.indirect.gather [hbm4b:s10+s8], $0x40, s6, s8, $0xb8;
	[tilespmem:$0x10400] =	vst v63  }
0x13: {  	s12 =	simm.s32 $0x2400  }
0x14: {  	[tilespmem:s12], [sflag:$0x1] =	stream.indirect.gather [hbm4b:s7+s8], $0x40, s8, s8, $0xb8;
	[tilespmem:$0x10400] =	vst v63  }
0x15: {  	s13 =	simm.s32 $0x280;
	s14 =	simm.s32 $0xA400  }
0x16: {  	[tilespmem:s14], [sflag:$0x1] =	stream.indirect.gather [hbm4b:s10+s8], $0x40, s13, s8, $0xb8;
	[tilespmem:$0x10400] =	vst v63  }
0x17: {  	s15 =	simm.s32 $0x100;
	s16 =	simm.s32 $0x4400  }
0x18: {  	[tilespmem:s16], [sflag:$0x1] =	stream.indirect.gather [hbm4b:s7+s8], $0x40, s15, s8, $0xb8;
	[tilespmem:$0x10400] =	vst v63  }
0x19: {  	s17 =	simm.s32 $0x300;
	s18 =	simm.s32 $0xC400  }
0x1a: {  	[tilespmem:s18], [sflag:$0x1] =	stream.indirect.gather [hbm4b:s10+s8], $0x40, s17, s8, $0xb8;
	[tilespmem:$0x10400] =	vst v63  }
0x1b: {  	s19 =	simm.s32 $0x180;
	s20 =	simm.s32 $0x6400  }
0x1c: {  	[tilespmem:s20], [sflag:$0x1] =	stream.indirect.gather [hbm4b:s7+s8], $0x40, s19, s8, $0xb8;
	[tilespmem:$0x10400] =	vst v63  }
0x1d: {  	s21 =	simm.s32 $0x380;
	s22 =	simm.s32 $0xE400;
	s23 =	simm.s32 $0x1  }
0x1e: {  	[tilespmem:s22], [sflag:$0x1] =	stream.indirect.gather [hbm4b:s10+s8], $0x40, s21, s8, $0xb8;
	[tilespmem:$0x10400] =	vst v63  }
0x1f: {  	_ =	swait.ge [sflag:s23], $0x2000  }
0x20: {  	[sflag:s23] =	ssyncset.done $0x0  }
0x21: {  	[sflag:s23] =	ssyncadd.s32 $0xFFFFE000  }
0x22: {  	_ =	swait.ge [sflag:s23], $0x2000  }
0x23: {  	[sflag:s23] =	ssyncset.done $0x0  }
0x24: {  	[sflag:s23] =	ssyncadd.s32 $0xFFFFE000  }
0x25: {  	_ =	swait.ge [sflag:s23], $0x2000  }
0x26: {  	[sflag:s23] =	ssyncset.done $0x0  }
0x27: {  	[sflag:s23] =	ssyncadd.s32 $0xFFFFE000  }
0x28: {  	_ =	swait.ge [sflag:s23], $0x2000  }
0x29: {  	[sflag:s23] =	ssyncset.done $0x0  }
0x2a: {  	[sflag:s23] =	ssyncadd.s32 $0xFFFFE000  }
0x2b: {  	_ =	swait.ge [sflag:s23], $0x2000  }
0x2c: {  	[sflag:s23] =	ssyncset.done $0x0  }
0x2d: {  	[sflag:s23] =	ssyncadd.s32 $0xFFFFE000  }
0x2e: {  	_ =	swait.ge [sflag:s23], $0x2000  }
0x2f: {  	[sflag:s23] =	ssyncset.done $0x0  }
0x30: {  	[sflag:s23] =	ssyncadd.s32 $0xFFFFE000  }
0x31: {  	_ =	swait.ge [sflag:s23], $0x2000  }
0x32: {  	[sflag:s23] =	ssyncset.done $0x0  }
0x33: {  	s26 =	ssub.s32 $0x2, s26;
	[sflag:s23] =	ssyncadd.s32 $0xFFFFE000  }
0x34: {  	s29 =	sshrl.u32 s26, $0x1;
	_ =	swait.ge [sflag:s23], $0x2000  }
0x35: {  	s28 =	sshll.u32 s28, $0x3;
	s26 =	ssub.s32 s26, s29;
	[sflag:s23] =	ssyncset.done $0x0  }
0x36: {  	s24 =	sadd.s32 s24, s28;
	s26 =	smax.u32 s26, $0x1;
	[sflag:s23] =	ssyncadd.s32 $0xFFFFE000  }
0x37: {  	[hbm4b:s24+s2] =	stream.linear.scatter [tilespmem:s9], [sflag:$0x2], $0x8000, $0x38;
	[tilespmem:$0x10400] =	vst v63  }
0x38: {  	p0 =	sne.s32 s26, $0x1;
	_ =	swait.ge [sflag:s3], $0x8000  }
.Ltmp0:
0x39: {  	s25 =	sadd.s32 s28, s25;
	[sflag:s3] =	ssyncset.done $0x0;
	(pc) =	sbr.rel @!p0 .LBB2_2-.Ltmp0, $4  }
0x3a: {  	s25 =	sadd.s32 $0x6000, s25;
	[sflag:s3] =	ssyncadd.s32 $0xFFFF8000  }
0x3b: {  	[hbm4b:s25+s2] =	stream.linear.scatter [tilespmem:s11], [sflag:$0x2], $0x8000, $0x38;
	[tilespmem:$0x10400] =	vst v63  }
0x3c: {  	_ =	swait.ge [sflag:s3], $0x8000  }
0x3d: {  	s26 =	sadd.s32 $0xFFFFFFFF, s26;
	[sflag:s3] =	ssyncset.done $0x0  }
.LBB2_1:
0x3e: {  	p0 =	sne.s32 s26, $0x1;
	s26 =	sadd.s32 $0xFFFFFFFF, s26;
	[sflag:s3] =	ssyncadd.s32 $0xFFFF8000  }
0x3f: {  	[tilespmem:s2], [sflag:$0x2] =	stream.linear.gather [hbm4b:s4+s2], $0x200, $0x38;
	[tilespmem:$0x10400] =	vst v63  }
0x40: {  	_ =	swait.ge [sflag:s3], $0x200  }
0x41: {  	[sflag:s3] =	ssyncset.done $0x0  }
0x42: {  	[sflag:s3] =	ssyncadd.s32 $0xFFFFFE00  }
0x43: {  	[tilespmem:s6], [sflag:$0x2] =	stream.linear.gather [hbm4b:s5+s2], $0x200, $0x38;
	[tilespmem:$0x10400] =	vst v63  }
0x44: {  	_ =	swait.ge [sflag:s3], $0x200  }
0x45: {  	[sflag:s3] =	ssyncset.done $0x0  }
0x46: {  	[sflag:s3] =	ssyncadd.s32 $0xFFFFFE00  }
0x47: {  	[tilespmem:s9], [sflag:$0x1] =	stream.indirect.gather [hbm4b:s7+s8], $0x40, s2, s8, $0xb8;
	[tilespmem:$0x10400] =	vst v63  }
0x48: {  	_ = 	snop  }
0x49: {  	[tilespmem:s11], [sflag:$0x1] =	stream.indirect.gather [hbm4b:s10+s8], $0x40, s6, s8, $0xb8;
	[tilespmem:$0x10400] =	vst v63  }
0x4a: {  	_ = 	snop  }
0x4b: {  	[tilespmem:s12], [sflag:$0x1] =	stream.indirect.gather [hbm4b:s7+s8], $0x40, s8, s8, $0xb8;
	[tilespmem:$0x10400] =	vst v63  }
0x4c: {  	_ = 	snop  }
0x4d: {  	[tilespmem:s14], [sflag:$0x1] =	stream.indirect.gather [hbm4b:s10+s8], $0x40, s13, s8, $0xb8;
	[tilespmem:$0x10400] =	vst v63  }
0x4e: {  	_ = 	snop  }
0x4f: {  	[tilespmem:s16], [sflag:$0x1] =	stream.indirect.gather [hbm4b:s7+s8], $0x40, s15, s8, $0xb8;
	[tilespmem:$0x10400] =	vst v63  }
0x50: {  	_ = 	snop  }
0x51: {  	[tilespmem:s18], [sflag:$0x1] =	stream.indirect.gather [hbm4b:s10+s8], $0x40, s17, s8, $0xb8;
	[tilespmem:$0x10400] =	vst v63  }
0x52: {  	_ = 	snop  }
0x53: {  	[tilespmem:s20], [sflag:$0x1] =	stream.indirect.gather [hbm4b:s7+s8], $0x40, s19, s8, $0xb8;
	[tilespmem:$0x10400] =	vst v63  }
0x54: {  	_ = 	snop  }
0x55: {  	[tilespmem:s22], [sflag:$0x1] =	stream.indirect.gather [hbm4b:s10+s8], $0x40, s21, s8, $0xb8;
	[tilespmem:$0x10400] =	vst v63  }
0x56: {  	_ =	swait.ge [sflag:s23], $0x2000  }
0x57: {  	[sflag:s23] =	ssyncset.done $0x0  }
0x58: {  	[sflag:s23] =	ssyncadd.s32 $0xFFFFE000  }
0x59: {  	_ =	swait.ge [sflag:s23], $0x2000  }
0x5a: {  	[sflag:s23] =	ssyncset.done $0x0  }
0x5b: {  	[sflag:s23] =	ssyncadd.s32 $0xFFFFE000  }
0x5c: {  	_ =	swait.ge [sflag:s23], $0x2000  }
0x5d: {  	[sflag:s23] =	ssyncset.done $0x0  }
0x5e: {  	[sflag:s23] =	ssyncadd.s32 $0xFFFFE000  }
0x5f: {  	_ =	swait.ge [sflag:s23], $0x2000  }
0x60: {  	[sflag:s23] =	ssyncset.done $0x0  }
0x61: {  	[sflag:s23] =	ssyncadd.s32 $0xFFFFE000  }
0x62: {  	_ =	swait.ge [sflag:s23], $0x2000  }
0x63: {  	[sflag:s23] =	ssyncset.done $0x0  }
0x64: {  	[sflag:s23] =	ssyncadd.s32 $0xFFFFE000  }
0x65: {  	_ =	swait.ge [sflag:s23], $0x2000  }
0x66: {  	[sflag:s23] =	ssyncset.done $0x0  }
0x67: {  	[sflag:s23] =	ssyncadd.s32 $0xFFFFE000  }
0x68: {  	_ =	swait.ge [sflag:s23], $0x2000  }
0x69: {  	[sflag:s23] =	ssyncset.done $0x0  }
0x6a: {  	[sflag:s23] =	ssyncadd.s32 $0xFFFFE000  }
0x6b: {  	_ =	swait.ge [sflag:s23], $0x2000  }
0x6c: {  	[sflag:s23] =	ssyncset.done $0x0  }
0x6d: {  	[sflag:s23] =	ssyncadd.s32 $0xFFFFE000  }
0x6e: {  	[hbm4b:s24+s2] =	stream.linear.scatter [tilespmem:s9], [sflag:$0x2], $0x8000, $0x38;
	[tilespmem:$0x10400] =	vst v63  }
0x6f: {  	_ =	swait.ge [sflag:s3], $0x8000  }
.Ltmp1:
0x70: {  	[sflag:s3] =	ssyncset.done $0x0;
	(pc) =	sbr.rel @p0 .LBB2_1-.Ltmp1, $4  }
0x71: {  	[sflag:s3] =	ssyncadd.s32 $0xFFFF8000  }
0x72: {  	[hbm4b:s25+s2] =	stream.linear.scatter [tilespmem:s11], [sflag:$0x2], $0x8000, $0x38;
	[tilespmem:$0x10400] =	vst v63  }
0x73: {  	_ =	swait.ge [sflag:s3], $0x8000  }
0x74: {  	[sflag:s3] =	ssyncset.done $0x0  }
.LBB2_2:
0x75: {  	[sflag:s3] =	ssyncadd.s32 $0xFFFF8000  }
0x76: {  	_ =	sfence.sel $0x180000  }
0x77: {  	[bflag:$0x0] =	sbarrier.arrive $0xFFFF  }
0x78: {  	p0 =	sne.s32 s0, $0x0;
	_ =	strace $0x90000047  }
0x79: {  	s0 =	sadd.s32 @!p0 $0x100000, s1;
	[bflag:$0x2] =	sbarrier.arrive $0xFFFF  }
0x7a: {  	[sflag:s0] =	ssyncadd.tile.s32 @!p0 $0x1;
	_ =	shalt  }
.Lfunc_end2:
_tile_overlayer_lowered:
.L_overlay_start_2:
0x7b: {  	(tag) =	ssettag $0x2  }
0x7c: {  	s0 =	rddreg [dreg:$0x0];
	s2 =	stileid.u32  }
0x7d: {  	s1 =	rddreg [dreg:$0x1];
	p0 =	sne.s32 s2, $0x0  }
0x7e: {  	s3 =	rddreg [dreg:$0x2];
	[bflag:$0x3] =	sbarrier.arrive $0xFFFF;
	s2 =	simm.s32 @!p0 $0x1C02  }
0x7f: {  	[timem:s3], [sflag:s2] =	dma.local @!p0 [hbm:s0], s1  }
0x80: {  	s0 =	simm.s32 @!p0 $0x2  }
0x81: {  	_ =	swait.ge @!p0 [sflag:s0], s1  }
0x82: {  	s1 =	ssub.s32 @!p0 $0x0, s1;
	[sflag:s0] =	ssyncset.done @!p0 $0x0  }
0x83: {  	[sflag:s0] =	ssyncadd.s32 @!p0 s1  }
0x84: {  	[bflag:$0x3] =	sbarrier.arrive $0xFFFF  }
0x85: {  	_ =	shalt  }

</sc_bundles>
